<compile_context>
chip_gen: v7x
topology: tpu7x:2x2x1
jax: 0.10.2.dev20260603
libtpu: 0.0.44.dev20260713+nightly
codegen_flags: <defaults>
</compile_context>

<pallas_src>
import functools

import jax
import jax.numpy as jnp
from jax import lax
from jax.experimental import pallas as pl
from jax.experimental.pallas import tpu as pltpu
from jax.experimental.pallas import tpu_sc as plsc

DIM_HALF = 64
DC = 2 * DIM_HALF
LBASE = 128
EXT = 9216
SEQ = 8192
HPB = 8
CACHE_BLK = HPB * LBASE
N_BIG_BLKS = EXT // CACHE_BLK

NC = 2
NS = 16
NW = NC * NS
BPW = SEQ // NW
HALF_BPW = BPW // 2

SEQ_BLK = 4096
N_SEQ_BLKS = SEQ // SEQ_BLK


def _tables_body(invf_ref, a1_ref, a2_ref, l1_ref, l2_ref):
    l = (lax.broadcasted_iota(jnp.int32, (LBASE, DIM_HALF), 0)
         .astype(jnp.float32))
    ang_lo = l * invf_ref[...]
    ang_hi = ang_lo * float(LBASE)
    cl = jnp.cos(ang_lo)
    sl = jnp.sin(ang_lo)
    ch = jnp.cos(ang_hi)
    sh = jnp.sin(ang_hi)
    a1_ref[...] = jnp.concatenate([ch, sh], axis=1)
    a2_ref[...] = jnp.concatenate([sh, ch], axis=1)
    l1_ref[...] = jnp.concatenate([cl, cl], axis=1)
    l2_ref[...] = jnp.concatenate([-sl, sl], axis=1)


def _combine_body(a1_ref, a2_ref, l1_ref, l2_ref, out_ref):
    i = pl.program_id(0)
    a1 = a1_ref[pl.ds(HPB * i, HPB), :].reshape(HPB, 1, DC)
    a2 = a2_ref[pl.ds(HPB * i, HPB), :].reshape(HPB, 1, DC)
    l1 = l1_ref[...].reshape(1, LBASE, DC)
    l2 = l2_ref[...].reshape(1, LBASE, DC)
    out = a1 * l1 + a2 * l2
    out_ref[...] = out.reshape(CACHE_BLK, DC)


def _build_cache(inv_freq):
    invf2d = inv_freq.reshape(1, DIM_HALF)
    tab_shape = jax.ShapeDtypeStruct((LBASE, DC), jnp.float32)
    a1, a2, l1, l2 = pl.pallas_call(
        _tables_body,
        out_shape=[tab_shape, tab_shape, tab_shape, tab_shape],
    )(invf2d)
    full_spec = pl.BlockSpec((LBASE, DC), lambda i: (0, 0))
    return pl.pallas_call(
        _combine_body,
        grid=(N_BIG_BLKS,),
        in_specs=[full_spec, full_spec, full_spec, full_spec],
        out_specs=pl.BlockSpec((CACHE_BLK, DC), lambda i: (i, 0)),
        out_shape=jax.ShapeDtypeStruct((EXT, DC), jnp.float32),
    )(a1, a2, l1, l2)


@functools.cache
def _make_sc_gather():
    mesh = plsc.VectorSubcoreMesh(core_axis_name="c", subcore_axis_name="s")

    @functools.partial(
        pl.kernel,
        mesh=mesh,
        out_type=jax.ShapeDtypeStruct((SEQ, DC), jnp.float32),
        scratch_types=[
            pltpu.VMEM((BPW,), jnp.int32),
            pltpu.VMEM((BPW, DC), jnp.float32),
            pltpu.SemaphoreType.DMA,
        ],
    )
    def _sc_gather(cache_hbm, pos_hbm, out_hbm, idx_v, rows_v, sem):
        wid = lax.axis_index("s") * NC + lax.axis_index("c")
        base = wid * BPW
        pltpu.sync_copy(pos_hbm.at[pl.ds(base, BPW)], idx_v)
        pltpu.async_copy(cache_hbm.at[idx_v], rows_v, sem).wait()
        pltpu.sync_copy(rows_v, out_hbm.at[pl.ds(base, BPW)])

    return _sc_gather


def _split_body(both_ref, cos_ref, sin_ref):
    bt = both_ref[...].T
    cos_ref[...] = bt[0:DIM_HALF, :]
    sin_ref[...] = bt[DIM_HALF:DC, :]


def _split_transpose(both):
    return pl.pallas_call(
        _split_body,
        grid=(N_SEQ_BLKS,),
        in_specs=[pl.BlockSpec((SEQ_BLK, DC), lambda i: (i, 0))],
        out_specs=[
            pl.BlockSpec((DIM_HALF, SEQ_BLK), lambda i: (0, i)),
            pl.BlockSpec((DIM_HALF, SEQ_BLK), lambda i: (0, i)),
        ],
        out_shape=[
            jax.ShapeDtypeStruct((DIM_HALF, SEQ), jnp.float32),
            jax.ShapeDtypeStruct((DIM_HALF, SEQ), jnp.float32),
        ],
    )(both)


def kernel(positions, inv_freq):
    cache = _build_cache(inv_freq)
    pos32 = positions.astype(jnp.int32)
    both = _make_sc_gather()(cache, pos32)
    cos_t, sin_t = _split_transpose(both)
    return (cos_t.T, sin_t.T)

# --- scband reference (transcript-rebuilt; emitter-appended) ---
"""Pipeline reference for scband-rotary-6227702579225 (READ-ONLY COPY).

The authoritative reference and input builder live on the scoring server;
editing this copy changes nothing except your own understanding.
"""

import jax, jax.numpy as jnp
import numpy as np

DIM = 128
BASE = 10000.0
CACHE_SIZE = 8192
EXT = CACHE_SIZE + 1024
SEQ = 8192

def setup_inputs(seed: int = 0) -> dict:
    key = jax.random.key(seed)
    positions = jax.random.randint(key, (SEQ,), 0, EXT)
    inv_freq = 1.0 / (BASE ** (jnp.arange(0, DIM, 2, dtype=jnp.float32) / DIM))
    return {"positions": positions, "inv_freq": inv_freq}

def reference(positions, inv_freq):
    # Precompute cache exactly as the torch module does, then gather.
    pos = jnp.arange(EXT, dtype=jnp.float32)
    freqs = pos[:, None] * inv_freq[None, :]  # outer(positions, inv_freq)
    cos_cache = jnp.cos(freqs)
    sin_cache = jnp.sin(freqs)
    cos = jnp.take(cos_cache, positions, axis=0)
    sin = jnp.take(sin_cache, positions, axis=0)
    return (cos, sin)

if __name__ == "__main__":
    import jax
    _d = setup_inputs()
    print(jax.jit(kernel)(*tuple(_d.values())))

</pallas_src>

<mosaic_0001>
#map = affine_map<(d0, d1) -> (0, 0)>
#map1 = affine_map<(d0, d1) -> (0)>
module attributes {stable_mosaic.version = 14 : i64} {
  func.func @_sc_gather(%arg0: i32, %arg1: i32, %arg2: memref<9216x128xf32, #tpu.memory_space<hbm>>, %arg3: memref<8192xi32, #tpu.memory_space<hbm>>, %arg4: memref<8192x128xf32, #tpu.memory_space<hbm>>, %arg5: memref<256xi32, #tpu.memory_space<vmem>>, %arg6: memref<256x128xf32, #tpu.memory_space<vmem>>, %arg7: memref<!tpu.dma_semaphore, #tpu.memory_space<semaphore_mem>>) attributes {dimension_semantics = [#tpu.dimension_semantics<core_parallel>, #tpu.dimension_semantics<subcore_parallel>], iteration_bounds = array<i64: 2, 16>, scalar_prefetch = 0 : i64, scratch_operands = 3 : i64, tpu.core_type = #tpu.core_type<sc_vector_subcore>, window_params = [{transform_indices = #map}, {transform_indices = #map1}, {transform_indices = #map}]} {
    %mul3A = arith.constant 2 : i32
    %mul3A_0 = arith.muli %arg1, %mul3A : i32
    %add3A = arith.addi %mul3A_0, %arg0 : i32
    %mul3A_1 = arith.constant 256 : i32
    %mul3A_2 = arith.muli %add3A, %mul3A_1 : i32
    "tpu.region"() ({
      %run_scoped3A = tpu.sem_alloc : memref<!tpu.dma_semaphore, #tpu.memory_space<semaphore_mem>>
      %dma_start3A_7 = tpu.memref_slice %arg3[%mul3A_2] : memref<8192xi32, #tpu.memory_space<hbm>> -> memref<256xi32, #tpu.memory_space<hbm>>
      %dma_start3A_8 = tpu.memref_slice %arg3[%mul3A_2] : memref<8192xi32, #tpu.memory_space<hbm>> -> memref<256xi32, #tpu.memory_space<hbm>>
      tpu.enqueue_dma source(%dma_start3A_8 : memref<256xi32, #tpu.memory_space<hbm>>) target(%arg5 : memref<256xi32, #tpu.memory_space<vmem>>) target_semaphore(%run_scoped3A : memref<!tpu.dma_semaphore, #tpu.memory_space<semaphore_mem>>)
      %dma_wait3A_9 = tpu.memref_slice %arg3[%mul3A_2] : memref<8192xi32, #tpu.memory_space<hbm>> -> memref<256xi32, #tpu.memory_space<hbm>>
      %dma_wait3A_10 = tpu.memref_slice %arg3[%mul3A_2] : memref<8192xi32, #tpu.memory_space<hbm>> -> memref<256xi32, #tpu.memory_space<hbm>>
      tpu.wait_dma2 semaphore(%run_scoped3A : memref<!tpu.dma_semaphore, #tpu.memory_space<semaphore_mem>>) src(%dma_wait3A_10 : memref<256xi32, #tpu.memory_space<hbm>>) dst(%arg5 : memref<256xi32, #tpu.memory_space<vmem>>)
      tpu.yield
    }) : () -> ()
    %dma_start3A = arith.constant 0 : i32
    %dma_start3A_3 = arith.constant 0 : i32
    %dma_start3A_4 = tpu.memref_slice %arg2[%dma_start3A, %dma_start3A_3] : memref<9216x128xf32, #tpu.memory_space<hbm>> -> memref<9216x128xf32, #tpu.memory_space<hbm>>
    tpu.enqueue_indirect_dma source(%dma_start3A_4 : memref<9216x128xf32, #tpu.memory_space<hbm>>) target(%arg6 : memref<256x128xf32, #tpu.memory_space<vmem>>) offsets(%arg5 : memref<256xi32, #tpu.memory_space<vmem>>) semaphore(%arg7 : memref<!tpu.dma_semaphore, #tpu.memory_space<semaphore_mem>>)
    %dma_wait3A = arith.constant 0 : i32
    %dma_wait3A_5 = arith.constant 0 : i32
    %dma_wait3A_6 = tpu.memref_slice %arg2[%dma_wait3A, %dma_wait3A_5] : memref<9216x128xf32, #tpu.memory_space<hbm>> -> memref<9216x128xf32, #tpu.memory_space<hbm>>
    tpu.wait_indirect_dma semaphore(%arg7 : memref<!tpu.dma_semaphore, #tpu.memory_space<semaphore_mem>>) src(%dma_wait3A_6 : memref<9216x128xf32, #tpu.memory_space<hbm>>) dst(%arg6 : memref<256x128xf32, #tpu.memory_space<vmem>>)
    "tpu.region"() ({
      %run_scoped3A = tpu.sem_alloc : memref<!tpu.dma_semaphore, #tpu.memory_space<semaphore_mem>>
      %dma_start3A_7 = arith.constant 0 : i32
      %dma_start3A_8 = tpu.memref_slice %arg4[%mul3A_2, %dma_start3A_7] : memref<8192x128xf32, #tpu.memory_space<hbm>> -> memref<256x128xf32, #tpu.memory_space<hbm>>
      %dma_start3A_9 = arith.constant 0 : i32
      %dma_start3A_10 = tpu.memref_slice %arg4[%mul3A_2, %dma_start3A_9] : memref<8192x128xf32, #tpu.memory_space<hbm>> -> memref<256x128xf32, #tpu.memory_space<hbm>>
      tpu.enqueue_dma source(%arg6 : memref<256x128xf32, #tpu.memory_space<vmem>>) target(%dma_start3A_10 : memref<256x128xf32, #tpu.memory_space<hbm>>) target_semaphore(%run_scoped3A : memref<!tpu.dma_semaphore, #tpu.memory_space<semaphore_mem>>)
      %dma_wait3A_11 = arith.constant 0 : i32
      %dma_wait3A_12 = tpu.memref_slice %arg4[%mul3A_2, %dma_wait3A_11] : memref<8192x128xf32, #tpu.memory_space<hbm>> -> memref<256x128xf32, #tpu.memory_space<hbm>>
      %dma_wait3A_13 = arith.constant 0 : i32
      %dma_wait3A_14 = tpu.memref_slice %arg4[%mul3A_2, %dma_wait3A_13] : memref<8192x128xf32, #tpu.memory_space<hbm>> -> memref<256x128xf32, #tpu.memory_space<hbm>>
      tpu.wait_dma2 semaphore(%run_scoped3A : memref<!tpu.dma_semaphore, #tpu.memory_space<semaphore_mem>>) src(%arg6 : memref<256x128xf32, #tpu.memory_space<vmem>>) dst(%dma_wait3A_14 : memref<256x128xf32, #tpu.memory_space<hbm>>)
      tpu.yield
    }) : () -> ()
    return
  }
}

module attributes {stable_mosaic.version = 14 : i64} {
  func.func @_combine_body(%arg0: i32, %arg1: memref<128x128xf32, #tpu.memory_space<vmem>>, %arg2: memref<128x128xf32, #tpu.memory_space<vmem>>, %arg3: memref<128x128xf32, #tpu.memory_space<vmem>>, %arg4: memref<128x128xf32, #tpu.memory_space<vmem>>, %arg5: memref<1024x128xf32, #tpu.memory_space<vmem>>) attributes {dimension_semantics = [#tpu.dimension_semantics<arbitrary>], iteration_bounds = array<i64: 9>, scalar_prefetch = 0 : i64, scratch_operands = 0 : i64, tpu.core_type = #tpu.core_type<tc>, window_params = [{pipeline_mode = #tpu.pipeline_mode<synchronous>, transform_indices = @transform_0, window_bounds = array<i64: 128, 128>}, {pipeline_mode = #tpu.pipeline_mode<synchronous>, transform_indices = @transform_1, window_bounds = array<i64: 128, 128>}, {pipeline_mode = #tpu.pipeline_mode<synchronous>, transform_indices = @transform_2, window_bounds = array<i64: 128, 128>}, {pipeline_mode = #tpu.pipeline_mode<synchronous>, transform_indices = @transform_3, window_bounds = array<i64: 128, 128>}, {transform_indices = @transform_4, window_bounds = array<i64: 1024, 128>}]} {
    %mul3A = arith.constant 8 : i32
    %mul3A_0 = arith.muli %mul3A, %arg0 : i32
    %get3A = arith.index_cast %mul3A_0 : i32 to index
    %get3A_1 = arith.constant 0 : index
    %get3A_2 = vector.load %arg1[%get3A, %get3A_1] : memref<128x128xf32, #tpu.memory_space<vmem>>, vector<8x128xf32>
    %reshape3A = vector.shape_cast %get3A_2 : vector<8x128xf32> to vector<8x1x128xf32>
    %mul3A_3 = arith.constant 8 : i32
    %mul3A_4 = arith.muli %mul3A_3, %arg0 : i32
    %get3A_5 = arith.index_cast %mul3A_4 : i32 to index
    %get3A_6 = arith.constant 0 : index
    %get3A_7 = vector.load %arg2[%get3A_5, %get3A_6] : memref<128x128xf32, #tpu.memory_space<vmem>>, vector<8x128xf32>
    %reshape3A_8 = vector.shape_cast %get3A_7 : vector<8x128xf32> to vector<8x1x128xf32>
    %get3A_9 = arith.constant 0 : index
    %get3A_10 = arith.constant 0 : index
    %get3A_11 = vector.load %arg3[%get3A_9, %get3A_10] : memref<128x128xf32, #tpu.memory_space<vmem>>, vector<128x128xf32>
    %reshape3A_12 = vector.shape_cast %get3A_11 : vector<128x128xf32> to vector<1x128x128xf32>
    %get3A_13 = arith.constant 0 : index
    %get3A_14 = arith.constant 0 : index
    %get3A_15 = vector.load %arg4[%get3A_13, %get3A_14] : memref<128x128xf32, #tpu.memory_space<vmem>>, vector<128x128xf32>
    %reshape3A_16 = vector.shape_cast %get3A_15 : vector<128x128xf32> to vector<1x128x128xf32>
    %mul3A_17 = vector.broadcast %reshape3A : vector<8x1x128xf32> to vector<8x128x128xf32>
    %mul3A_18 = vector.broadcast %reshape3A_12 : vector<1x128x128xf32> to vector<8x128x128xf32>
    %mul3A_19 = arith.mulf %mul3A_17, %mul3A_18 : vector<8x128x128xf32>
    %mul3A_20 = vector.broadcast %reshape3A_8 : vector<8x1x128xf32> to vector<8x128x128xf32>
    %mul3A_21 = vector.broadcast %reshape3A_16 : vector<1x128x128xf32> to vector<8x128x128xf32>
    %mul3A_22 = arith.mulf %mul3A_20, %mul3A_21 : vector<8x128x128xf32>
    %add3A = arith.addf %mul3A_19, %mul3A_22 : vector<8x128x128xf32>
    %reshape3A_23 = vector.shape_cast %add3A : vector<8x128x128xf32> to vector<1024x128xf32>
    %swap3A = arith.constant 0 : index
    %swap3A_24 = arith.constant 0 : index
    %swap3A_25 = vector.load %arg5[%swap3A, %swap3A_24] : memref<1024x128xf32, #tpu.memory_space<vmem>>, vector<1024x128xf32>
    tpu.vector_store %arg5[%swap3A, %swap3A_24], %reshape3A_23 {strides = array<i32>} : memref<1024x128xf32, #tpu.memory_space<vmem>>, vector<1024x128xf32>,
    return
  }
  func.func @transform_0(%arg0: i32) -> (i32, i32) {
    %c0_i32 = arith.constant 0 : i32
    %c0_i32_0 = arith.constant 0 : i32
    %c0_i32_1 = arith.constant 0 : i32
    return %c0_i32, %c0_i32_0 : i32, i32
  }
  func.func @transform_1(%arg0: i32) -> (i32, i32) {
    %c0_i32 = arith.constant 0 : i32
    %c0_i32_0 = arith.constant 0 : i32
    %c0_i32_1 = arith.constant 0 : i32
    return %c0_i32, %c0_i32_0 : i32, i32
  }
  func.func @transform_2(%arg0: i32) -> (i32, i32) {
    %c0_i32 = arith.constant 0 : i32
    %c0_i32_0 = arith.constant 0 : i32
    %c0_i32_1 = arith.constant 0 : i32
    return %c0_i32, %c0_i32_0 : i32, i32
  }
  func.func @transform_3(%arg0: i32) -> (i32, i32) {
    %c0_i32 = arith.constant 0 : i32
    %c0_i32_0 = arith.constant 0 : i32
    %c0_i32_1 = arith.constant 0 : i32
    return %c0_i32, %c0_i32_0 : i32, i32
  }
  func.func @transform_4(%arg0: i32) -> (i32, i32) {
    %c0_i32 = arith.constant 0 : i32
    %c0_i32_0 = arith.constant 0 : i32
    return %arg0, %c0_i32 : i32, i32
  }
}

module attributes {stable_mosaic.version = 14 : i64} {
  func.func @_tables_body(%arg0: memref<1x64xf32, #tpu.memory_space<vmem>>, %arg1: memref<128x128xf32, #tpu.memory_space<vmem>>, %arg2: memref<128x128xf32, #tpu.memory_space<vmem>>, %arg3: memref<128x128xf32, #tpu.memory_space<vmem>>, %arg4: memref<128x128xf32, #tpu.memory_space<vmem>>) attributes {dimension_semantics = [], scalar_prefetch = 0 : i64, scratch_operands = 0 : i64, tpu.core_type = #tpu.core_type<tc>} {
    %iota3A = tpu.iota {dimensions = array<i32: 0>} : vector<128x64xi32>
    %convert_element_type3A = arith.sitofp %iota3A : vector<128x64xi32> to vector<128x64xf32>
    %get3A = arith.constant 0 : index
    %get3A_0 = arith.constant 0 : index
    %get3A_1 = vector.load %arg0[%get3A, %get3A_0] : memref<1x64xf32, #tpu.memory_space<vmem>>, vector<1x64xf32>
    %mul3A = vector.broadcast %get3A_1 : vector<1x64xf32> to vector<128x64xf32>
    %mul3A_2 = arith.mulf %convert_element_type3A, %mul3A : vector<128x64xf32>
    %mul3A_3 = arith.constant 1.280000e+02 : f32
    %mul3A_4 = vector.broadcast %mul3A_3 : f32 to vector<128x64xf32>
    %mul3A_5 = arith.mulf %mul3A_2, %mul3A_4 : vector<128x64xf32>
    %cos3A = math.cos %mul3A_2 : vector<128x64xf32>
    %sin3A = math.sin %mul3A_2 : vector<128x64xf32>
    %cos3A_6 = math.cos %mul3A_5 : vector<128x64xf32>
    %sin3A_7 = math.sin %mul3A_5 : vector<128x64xf32>
    %concatenate3A = tpu.concatenate %cos3A_6, %sin3A_7 in 1 : vector<128x64xf32>, vector<128x64xf32> -> vector<128x128xf32>
    %swap3A = arith.constant 0 : index
    %swap3A_8 = arith.constant 0 : index
    %swap3A_9 = vector.load %arg1[%swap3A, %swap3A_8] : memref<128x128xf32, #tpu.memory_space<vmem>>, vector<128x128xf32>
    tpu.vector_store %arg1[%swap3A, %swap3A_8], %concatenate3A {strides = array<i32>} : memref<128x128xf32, #tpu.memory_space<vmem>>, vector<128x128xf32>,
    %concatenate3A_10 = tpu.concatenate %sin3A_7, %cos3A_6 in 1 : vector<128x64xf32>, vector<128x64xf32> -> vector<128x128xf32>
    %swap3A_11 = arith.constant 0 : index
    %swap3A_12 = arith.constant 0 : index
    %swap3A_13 = vector.load %arg2[%swap3A_11, %swap3A_12] : memref<128x128xf32, #tpu.memory_space<vmem>>, vector<128x128xf32>
    tpu.vector_store %arg2[%swap3A_11, %swap3A_12], %concatenate3A_10 {strides = array<i32>} : memref<128x128xf32, #tpu.memory_space<vmem>>, vector<128x128xf32>,
    %concatenate3A_14 = tpu.concatenate %cos3A, %cos3A in 1 : vector<128x64xf32>, vector<128x64xf32> -> vector<128x128xf32>
    %swap3A_15 = arith.constant 0 : index
    %swap3A_16 = arith.constant 0 : index
    %swap3A_17 = vector.load %arg3[%swap3A_15, %swap3A_16] : memref<128x128xf32, #tpu.memory_space<vmem>>, vector<128x128xf32>
    tpu.vector_store %arg3[%swap3A_15, %swap3A_16], %concatenate3A_14 {strides = array<i32>} : memref<128x128xf32, #tpu.memory_space<vmem>>, vector<128x128xf32>,
    %neg3A = arith.constant 0.000000e+00 : f32
    %neg3A_18 = vector.broadcast %neg3A : f32 to vector<128x64xf32>
    %neg3A_19 = arith.subf %neg3A_18, %sin3A : vector<128x64xf32>
    %concatenate3A_20 = tpu.concatenate %neg3A_19, %sin3A in 1 : vector<128x64xf32>, vector<128x64xf32> -> vector<128x128xf32>
    %swap3A_21 = arith.constant 0 : index
    %swap3A_22 = arith.constant 0 : index
    %swap3A_23 = vector.load %arg4[%swap3A_21, %swap3A_22] : memref<128x128xf32, #tpu.memory_space<vmem>>, vector<128x128xf32>
    tpu.vector_store %arg4[%swap3A_21, %swap3A_22], %concatenate3A_20 {strides = array<i32>} : memref<128x128xf32, #tpu.memory_space<vmem>>, vector<128x128xf32>,
    return
  }
}

module attributes {stable_mosaic.version = 14 : i64} {
  func.func @_split_body(%arg0: i32, %arg1: memref<4096x128xf32, #tpu.memory_space<vmem>>, %arg2: memref<64x4096xf32, #tpu.memory_space<vmem>>, %arg3: memref<64x4096xf32, #tpu.memory_space<vmem>>) attributes {dimension_semantics = [#tpu.dimension_semantics<arbitrary>], iteration_bounds = array<i64: 2>, scalar_prefetch = 0 : i64, scratch_operands = 0 : i64, tpu.core_type = #tpu.core_type<tc>, window_params = [{transform_indices = @transform_0, window_bounds = array<i64: 4096, 128>}, {transform_indices = @transform_1, window_bounds = array<i64: 64, 4096>}, {transform_indices = @transform_2, window_bounds = array<i64: 64, 4096>}]} {
    %get3A = arith.constant 0 : index
    %get3A_0 = arith.constant 0 : index
    %get3A_1 = vector.load %arg1[%get3A, %get3A_0] : memref<4096x128xf32, #tpu.memory_space<vmem>>, vector<4096x128xf32>
    %transpose3A = tpu.transpose %get3A_1, [1, 0] : vector<4096x128xf32> -> vector<128x4096xf32>
    %slice3A = vector.extract_strided_slice %transpose3A {offsets = [0, 0], sizes = [64, 4096], strides = [1, 1]} : vector<128x4096xf32> to vector<64x4096xf32>
    %swap3A = arith.constant 0 : index
    %swap3A_2 = arith.constant 0 : index
    %swap3A_3 = vector.load %arg2[%swap3A, %swap3A_2] : memref<64x4096xf32, #tpu.memory_space<vmem>>, vector<64x4096xf32>
    tpu.vector_store %arg2[%swap3A, %swap3A_2], %slice3A {strides = array<i32>} : memref<64x4096xf32, #tpu.memory_space<vmem>>, vector<64x4096xf32>,
    %slice3A_4 = vector.extract_strided_slice %transpose3A {offsets = [64, 0], sizes = [64, 4096], strides = [1, 1]} : vector<128x4096xf32> to vector<64x4096xf32>
    %swap3A_5 = arith.constant 0 : index
    %swap3A_6 = arith.constant 0 : index
    %swap3A_7 = vector.load %arg3[%swap3A_5, %swap3A_6] : memref<64x4096xf32, #tpu.memory_space<vmem>>, vector<64x4096xf32>
    tpu.vector_store %arg3[%swap3A_5, %swap3A_6], %slice3A_4 {strides = array<i32>} : memref<64x4096xf32, #tpu.memory_space<vmem>>, vector<64x4096xf32>,
    return
  }
  func.func @transform_0(%arg0: i32) -> (i32, i32) {
    %c0_i32 = arith.constant 0 : i32
    %c0_i32_0 = arith.constant 0 : i32
    return %arg0, %c0_i32 : i32, i32
  }
  func.func @transform_1(%arg0: i32) -> (i32, i32) {
    %c0_i32 = arith.constant 0 : i32
    %c0_i32_0 = arith.constant 0 : i32
    return %c0_i32, %arg0 : i32, i32
  }
  func.func @transform_2(%arg0: i32) -> (i32, i32) {
    %c0_i32 = arith.constant 0 : i32
    %c0_i32_0 = arith.constant 0 : i32
    return %c0_i32, %arg0 : i32, i32
  }
}

</mosaic_0001>

<sc_bundles>
// kernel: kernel.6.cloned.1.call-start
scs
__scs_entry_jumppad:
0x0: {  	(pc) =	sbr.rel $0x88, $3  }
0x1: {  	(tag) =	ssettag $0x0;
	lr =	simm.s32 $0x1  }
0x2: {  	[smem:$0x3F9F] =	sst lr;
	_ =	strace $0xD0000000  }
0x3: {  	_ = 	snop  }
0x4: {  	_ = 	snop  }
0x5: {  	_ = 	snop  }
0x6: {  	_ = 	snop  }
0x7: {  	_ = 	snop  }
__scs_overlays_trampoline_lowered:
0x8: {  	[smem:$0x3FAE] =	sst s0  }
0x9: {  	[smem:$0x3FAF] =	sst s1  }
0xa: {  	[smem:$0x3FB0] =	sst s2  }
0xb: {  	[smem:$0x3FB1] =	sst s3  }
0xc: {  	[smem:$0x3FB2] =	sst s4  }
0xd: {  	[smem:$0x3FB3] =	sst s5  }
0xe: {  	[smem:$0x3FB4] =	sst s6  }
0xf: {  	[smem:$0x3FB5] =	sst s7  }
0x10: {  	[smem:$0x3FB6] =	sst s8  }
0x11: {  	[smem:$0x3FB7] =	sst s9;
	s0 =	simm.s32 @!p0 $0x0  }
0x12: {  	s1 =	sld [smem:$0x3F9D];
	s0 =	simm.s32 @p0 $0x1  }
0x13: {  	[smem:$0x3FB8] =	sst s0;
	s0 =	simm.s32 @!p1 $0x0  }
0x14: {  	s2 =	sld [smem:$0x3F9C];
	s0 =	simm.s32 @p1 $0x1  }
0x15: {  	[smem:$0x3FB9] =	sst s0;
	s0 =	simm.s32 @!p2 $0x0  }
0x16: {  	s3 =	sld [smem:$0x3FDB];
	s0 =	simm.s32 @p2 $0x1  }
0x17: {  	s4 =	simm.s32 $0x1BF5;
	[smem:$0x3FBB] =	sst s0  }
0x18: {  	s0 =	sld [smem:$0x3F9E];
	_ =	swait.ge [sflag:s4], $0x0  }
0x19: {  	s7 =	sld [smem:$0x3F9F]  }
0x1a: {  	s8 =	sadd.s32 $0xFFFFE003, lr  }
0x1b: {  	s9 =	sadd.s32 $0xFFFFFEF7, lr;
	s5 =	simm.s32 $0xFFFFFFFF;
	p2 =	slt.u32 s8, $0xFFFFF086  }
0x1c: {  	p1 =	slt.u32 s9, $0xF7A;
	s5 =	simm.s32 @!p2 $0x0  }
0x1d: {  	s5 =	simm.s32 @p1 $0x1;
	p0 =	seq.s32 s7, s2  }
0x1e: {  	s7 =	smul.u32 @!p0 $0xF7A, s2;
	p2 =	seq.s32 @!p0 s5, $0x0  }
0x1f: {  	s9 =	smul.u32 $0xF7A, s1;
	s8 =	simm.s32 @!p0 $0x1BF5;
	p2 =	por !p2, p0  }
0x20: {  	[sflag:s8] =	ssyncset.s32 @!p0 $0xFFFFF086;
	s6 =	sadd.s32 @!p0 s3, s7;
	s7 =	simm.s32 @!p0 $0x108  }
0x21: {  	s3 =	sadd.s32 s3, s9;
	s6 =	sadd.s32 @!p0 $0x88, s6;
	s7 =	simm.s32 @p2 $0x1082  }
0x22: {  	[simem:s7], [sflag:s8] =	dma.local @!p0 [hbm:s6], $0xF7A  }
0x23: {  	s9 =	sor.u32 $0xD0000000, s2;
	s6 =	simm.s32 $0x108;
	_ =	swait.ge @!p0 [sflag:s8], $0x0  }
0x24: {  	s3 =	sadd.s32 $0x88, s3;
	s6 =	simm.s32 @!p1 $0x1082;
	[sflag:s4] =	ssyncset.s32 $0xFFFFF086  }
0x25: {  	[simem:s6], [sflag:s4] =	dma.local [hbm:s3], $0xF7A  }
0x26: {  	[smem:$0x3F9F] =	sst s1;
	(tag) =	ssettag s2;
	_ =	strace s9  }
0x27: {  	s1 =	sld [smem:$0x3FAF]  }
0x28: {  	s2 =	sld [smem:$0x3FB0]  }
0x29: {  	s4 =	sld [smem:$0x3FB2]  }
0x2a: {  	p0 =	seq.s32 s5, $0x0;
	s5 =	sld [smem:$0x3FB3]  }
0x2b: {  	s6 =	sld [smem:$0x3FB4]  }
0x2c: {  	s7 =	sld [smem:$0x3FB5]  }
0x2d: {  	s3 =	simm.s32 $0x108;
	s8 =	sld [smem:$0x3FB6]  }
0x2e: {  	s3 =	simm.s32 @!p0 $0x1082;
	s9 =	sld [smem:$0x3FB7]  }
0x2f: {  	lr =	sadd.s32 s0, s3;
	s0 =	sld [smem:$0x3FAE]  }
0x30: {  	s3 =	sld [smem:$0x3FB1]  }
0x31: {  	[smem:$0x3FBA] =	sst s10  }
0x32: {  	s10 =	sld [smem:$0x3FB8];
	_ =	sdelay $0x3  }
0x33: {  	p0 =	seq.s32 s10, $0x1;
	s10 =	sld [smem:$0x3FBA];
	_ =	sdelay $0x3  }
0x34: {  	[smem:$0x3FBA] =	sst s10  }
0x35: {  	s10 =	sld [smem:$0x3FB9];
	_ =	sdelay $0x3  }
0x36: {  	p1 =	seq.s32 s10, $0x1;
	s10 =	sld [smem:$0x3FBA];
	_ =	sdelay $0x3  }
0x37: {  	[smem:$0x3FBA] =	sst s10  }
0x38: {  	s10 =	sld [smem:$0x3FBB]  }
0x39: {  	_ = 	snop;
	(pc) =	sbr.ind lr, $3  }
0x3a: {  	_ = 	snop  }
0x3b: {  	_ = 	snop  }
0x3c: {  	p2 =	seq.s32 s10, $0x1;
	s10 =	sld [smem:$0x3FBA]  }
0x3d: {  	_ =	shalt  }
0x3e: {  	_ =	shalt  }
0x3f: {  	_ =	shalt  }
0x40: {  	_ =	shalt  }
0x41: {  	_ =	shalt  }
0x42: {  	_ =	shalt  }
0x43: {  	_ =	shalt  }
0x44: {  	_ =	shalt  }
0x45: {  	_ =	shalt  }
0x46: {  	_ =	shalt  }
0x47: {  	_ =	shalt  }
0x48: {  	_ =	shalt  }
0x49: {  	_ =	shalt  }
0x4a: {  	_ =	shalt  }
0x4b: {  	_ =	shalt  }
0x4c: {  	_ =	shalt  }
0x4d: {  	_ =	shalt  }
0x4e: {  	_ =	shalt  }
0x4f: {  	_ =	shalt  }
0x50: {  	_ =	shalt  }
0x51: {  	_ =	shalt  }
0x52: {  	_ =	shalt  }
0x53: {  	_ =	shalt  }
0x54: {  	_ =	shalt  }
0x55: {  	_ =	shalt  }
0x56: {  	_ =	shalt  }
0x57: {  	_ =	shalt  }
0x58: {  	_ =	shalt  }
0x59: {  	_ =	shalt  }
0x5a: {  	_ =	shalt  }
0x5b: {  	_ =	shalt  }
0x5c: {  	_ =	shalt  }
0x5d: {  	_ =	shalt  }
0x5e: {  	_ =	shalt  }
0x5f: {  	_ =	shalt  }
0x60: {  	_ =	shalt  }
0x61: {  	_ =	shalt  }
0x62: {  	_ =	shalt  }
0x63: {  	_ =	shalt  }
0x64: {  	_ =	shalt  }
0x65: {  	_ =	shalt  }
0x66: {  	_ =	shalt  }
0x67: {  	_ =	shalt  }
0x68: {  	_ =	shalt  }
0x69: {  	_ =	shalt  }
0x6a: {  	_ =	shalt  }
0x6b: {  	_ =	shalt  }
0x6c: {  	_ =	shalt  }
0x6d: {  	_ =	shalt  }
0x6e: {  	_ =	shalt  }
0x6f: {  	_ =	shalt  }
0x70: {  	_ =	shalt  }
0x71: {  	_ =	shalt  }
0x72: {  	_ =	shalt  }
0x73: {  	_ =	shalt  }
0x74: {  	_ =	shalt  }
0x75: {  	_ =	shalt  }
0x76: {  	_ =	shalt  }
0x77: {  	_ =	shalt  }
0x78: {  	_ =	shalt  }
0x79: {  	_ =	shalt  }
0x7a: {  	_ =	shalt  }
0x7b: {  	_ =	shalt  }
0x7c: {  	_ =	shalt  }
0x7d: {  	_ =	shalt  }
0x7e: {  	_ =	shalt  }
0x7f: {  	_ =	shalt  }
0x80: {  	_ =	shalt  }
0x81: {  	_ =	shalt  }
0x82: {  	_ =	shalt  }
0x83: {  	_ =	shalt  }
0x84: {  	_ =	shalt  }
0x85: {  	_ =	shalt  }
0x86: {  	_ =	shalt  }
0x87: {  	_ =	shalt  }
.Lfunc_end0:
.L_simem_size_0:
called_computation_lowered:
.L_overlay_start_0:
0x88: {  	s2 =	sld [smem:$0x3FD9]  }
0x89: {  	s3 =	sld [smem:$0x3FFE];
	_ =	sdelay $0x1  }
0x8a: {  	s1 =	srdreg.scid  }
0x8b: {  	s0 =	sand.u32 $0x1, s1  }
0x8c: {  	s17 =	sshll.u32 s0, $0xA;
	s2 =	sadd.s32 s3, s2  }
0x8d: {  	s2 =	sadd.s32 s2, s17  }
0x8e: {  	[smem:$0x3FC6] =	sst s2  }
0x8f: {  	_ = 	snop  }
0x90: {  	s2 =	sld [smem:$0x3FC9];
	(tm) =	ssettm $0x1  }
0x91: {  	s18 =	sld [smem:$0x3FFB];
	_ =	sdelay $0x3  }
0x92: {  	_ =	strace s18  }
0x93: {  	s3 =	sld [smem:$0x3FFC];
	_ =	sdelay $0x3  }
0x94: {  	_ =	strace s3  }
0x95: {  	s3 =	sld [smem:$0x3FFD];
	_ =	sdelay $0x3  }
0x96: {  	_ =	strace s3  }
0x97: {  	_ =	strace $0x8FFFFFFF  }
0x98: {  	s19 =	sld [smem:$0x3FDB];
	_ =	sdelay $0x1  }
0x99: {  	s4 =	simm.s32 $_scs_section_size  }
0x9a: {  	s5 =	simm.s32 $_size__tile_overlayer_lowered;
	s6 =	simm.s32 $_tile_overlayer_lowered  }
0x9b: {  	s22 =	simm.s32 $0x1BFF;
	s21 =	sshll.u32 s6, $0x1;
	s3 =	sadd.s32 s4, s19  }
0x9c: {  	s7 =	simm.s32 $0x0;
	s20 =	sshll.u32 s5, $0x1;
	s5 =	sadd.s32 s21, s3  }
0x9d: {  	[timem:s7], [sflag:s22] =	dma.local [hbm:s5], s20  }
0x9e: {  	_ =	swait.ge [sflag:s22], s20  }
0x9f: {  	s4 =	ssub.s32 $0x0, s20;
	[sflag:s22] =	ssyncset.done $0x0  }
0xa0: {  	[sflag:s22] =	ssyncadd.s32 s4;
	_ =	sdelay $0x1  }
0xa1: {  	s23 =	simm.s32 $0x1B8B  }
0xa2: {  	_ =	swait.ge [sflag:s23], $0x1  }
0xa3: {  	[sflag:s23] =	ssyncset.done $0x0  }
0xa4: {  	s25 =	simm.s32 $0x1B8E;
	s24 =	sld [smem:$0x3FFE];
	[sflag:s23] =	ssyncadd.s32 $0xFFFFFFFF  }
0xa5: {  	s26 =	simm.s32 $execute0_lowered;
	[smem:$0x3FD2] =	sst s25  }
0xa6: {  	s5 =	sshll.u32 s26, $0x1;
	_ =	strace $0x80000046;
	[dreg:$0x1] =	wrdreg $0xFFFFFFFF  }
0xa7: {  	s28 =	simm.s32 $_size_execute0_lowered;
	s3 =	sadd.s32 s3, s5;
	[dreg:$0x0] =	wrdreg $0x0  }
0xa8: {  	s5 =	sshll.u32 s28, $0x1;
	[dreg:$0x2] =	wrdreg s3  }
0xa9: {  	[dreg:$0x3] =	wrdreg s5  }
0xaa: {  	[dreg:$0x4] =	wrdreg $0xC0  }
0xab: {  	_ =	task [dreg:s7], $0x5FFFF  }
0xac: {  	[dreg:$0x1] =	wrdreg $0xFFFFFFFF  }
0xad: {  	[dreg:$0x0] =	wrdreg $0x60  }
0xae: {  	[dreg:$0x2] =	wrdreg s24  }
0xaf: {  	[dreg:$0x3] =	wrdreg s2  }
0xb0: {  	[dreg:$0x4] =	wrdreg $0x9  }
0xb1: {  	_ =	task.clear_ibuf [dreg:s7], $0x5FFFF;
	_ =	strace $0x90000046  }
0xb2: {  	s29 =	simm.s32 $0x9;
	_ =	strace $0x80000048  }
0xb3: {  	_ =	swait.ge [sflag:s29], $0x1  }
0xb4: {  	[sflag:s29] =	ssyncadd.s32 $0xFFFFFFFF  }
0xb5: {  	_ =	strace $0x90000048  }
0xb6: {  	_ =	sfence  }
0xb7: {  	s30 =	sld [smem:$0x0];
	_ =	sdelay $0x2  }
0xb8: {  	s31 =	sshll.u32 s1, $0xD;
	s1 =	sshrl.u32 s1, $0x2  }
0xb9: {  	s3 =	sand.u32 $0x4000, s31;
	s1 =	sadd.s32 s1, s30  }
0xba: {  	s0 =	sor.u32 s3, s0;
	s1 =	sshll.u32 s1, $0x11  }
0xbb: {  	s0 =	sor.u32 s1, s0  }
0xbc: {  	s0 =	sadd.s32 $0x8F2B, s0  }
0xbd: {  	[sflag:s0] =	ssyncadd.remote.s32 $0x1  }
0xbe: {  	_ =	sfence.sel $0xFFFF  }
0xbf: {  	[dreg:$0x0] =	wrdreg $0xFFFFFFFF;
	(pc) =	sbr.abs _section_cstart, $3  }
0xc0: {  	[dreg:$0x1] =	wrdreg $0xFFFFFFFF  }
0xc1: {  	_ =	task.clear_ibuf [dreg:s7], $0x2FFFF;
	_ =	strace $0x9FFFFFFF  }
0xc2: {  	(tm) =	ssettm $0x7FFFFFFF  }
0xc3: {  	_ =	shalt  }
tec
execute0_lowered:
.L_overlay_start_1:
0x0: {  	(tag) =	ssettag $0x1  }
0x1: {  	s1 =	srdreg.scid  }
0x2: {  	s8 =	rddreg [dreg:$0x0];
	s0 =	stileid.u32  }
0x3: {  	s3 =	rddreg [dreg:$0x1];
	s2 =	simm.s32 $0x0;
	s6 =	sand.u32 $0x1, s1  }
0x4: {  	s4 =	sshll.u32 s0, $0x9;
	s1 =	rddreg [dreg:$0x2];
	s5 =	sshll.u32 s6, $0x8  }
0x5: {  	s7 =	simm.s32 $0x1;
	[smem:$0x7FF] =	sst s2;
	s9 =	sor.u32 s5, s4  }
0x6: {  	_ =	strace $0x80000047;
	s10 =	ssub.s32 $0x2, s6;
	s4 =	sshrl.u32 s9, $0x3  }
0x7: {  	s6 =	simm.s32 $0x100;
	s4 =	sadd.s32 s3, s4;
	s3 =	simm.s32 $0x2  }
0x8: {  	[tilespmem:s2], [sflag:$0x2] =	stream.linear.gather [hbm4b:s4+s2], $0x100, $0x38;
	[tilespmem:$0x8100] =	vst v63  }
0x9: {  	s5 =	sadd.s32 $0xE00, s8;
	s11 =	sshrl.u32 s10, $0x1;
	_ =	swait.ge [sflag:s3], $0x100  }
0xa: {  	s9 =	sshll.u32 s9, $0x4;
	s31 =	ssub.s32 s10, s11;
	[sflag:s3] =	ssyncset.done $0x0  }
0xb: {  	s8 =	sadd.s32 s9, s8;
	s9 =	smax.u32 s31, $0x1;
	[sflag:s3] =	ssyncadd.s32 $0xFFFFFF00  }
0xc: {  	[tilespmem:s6], [sflag:$0x1] =	stream.indirect.gather [hbm4b:s5+s6], $0x80, s2, s6, $0xb8;
	[tilespmem:$0x8100] =	vst v63  }
0xd: {  	p0 =	sne.s32 s9, $0x1;
	_ =	swait.ge [sflag:s7], $0x8000  }
.Ltmp0:
0xe: {  	[sflag:s7] =	ssyncset.done $0x0;
	(pc) =	sbr.rel @!p0 .LBB2_2-.Ltmp0, $4  }
0xf: {  	s8 =	sadd.s32 $0x24E00, s8;
	[sflag:s7] =	ssyncadd.s32 $0xFFFF8000  }
0x10: {  	[hbm4b:s8+s2] =	stream.linear.scatter [tilespmem:s6], [sflag:$0x2], $0x8000, $0x38;
	[tilespmem:$0x8100] =	vst v63  }
0x11: {  	_ =	swait.ge [sflag:s3], $0x8000  }
0x12: {  	s9 =	sadd.s32 $0xFFFFFFFF, s9;
	[sflag:s3] =	ssyncset.done $0x0  }
.LBB2_1:
0x13: {  	p0 =	sne.s32 s9, $0x1;
	s9 =	sadd.s32 $0xFFFFFFFF, s9;
	[sflag:s3] =	ssyncadd.s32 $0xFFFF8000  }
0x14: {  	[tilespmem:s2], [sflag:$0x2] =	stream.linear.gather [hbm4b:s4+s2], $0x100, $0x38;
	[tilespmem:$0x8100] =	vst v63  }
0x15: {  	_ =	swait.ge [sflag:s3], $0x100  }
0x16: {  	[sflag:s3] =	ssyncset.done $0x0  }
0x17: {  	[sflag:s3] =	ssyncadd.s32 $0xFFFFFF00  }
0x18: {  	[tilespmem:s6], [sflag:$0x1] =	stream.indirect.gather [hbm4b:s5+s6], $0x80, s2, s6, $0xb8;
	[tilespmem:$0x8100] =	vst v63  }
0x19: {  	_ =	swait.ge [sflag:s7], $0x8000  }
.Ltmp1:
0x1a: {  	[sflag:s7] =	ssyncset.done $0x0;
	(pc) =	sbr.rel @p0 .LBB2_1-.Ltmp1, $4  }
0x1b: {  	[sflag:s7] =	ssyncadd.s32 $0xFFFF8000  }
0x1c: {  	[hbm4b:s8+s2] =	stream.linear.scatter [tilespmem:s6], [sflag:$0x2], $0x8000, $0x38;
	[tilespmem:$0x8100] =	vst v63  }
0x1d: {  	_ =	swait.ge [sflag:s3], $0x8000  }
0x1e: {  	[sflag:s3] =	ssyncset.done $0x0  }
.LBB2_2:
0x1f: {  	[sflag:s3] =	ssyncadd.s32 $0xFFFF8000  }
0x20: {  	_ =	sfence.sel $0x180000  }
0x21: {  	[bflag:$0x0] =	sbarrier.arrive $0xFFFF  }
0x22: {  	p0 =	sne.s32 s0, $0x0;
	_ =	strace $0x90000047  }
0x23: {  	s0 =	sadd.s32 @!p0 $0x100000, s1;
	[bflag:$0x2] =	sbarrier.arrive $0xFFFF  }
0x24: {  	[sflag:s0] =	ssyncadd.tile.s32 @!p0 $0x1;
	_ =	shalt  }
.Lfunc_end2:
_tile_overlayer_lowered:
.L_overlay_start_2:
0x25: {  	(tag) =	ssettag $0x2  }
0x26: {  	s0 =	rddreg [dreg:$0x0];
	s2 =	stileid.u32  }
0x27: {  	s1 =	rddreg [dreg:$0x1];
	p0 =	sne.s32 s2, $0x0  }
0x28: {  	s3 =	rddreg [dreg:$0x2];
	[bflag:$0x3] =	sbarrier.arrive $0xFFFF;
	s2 =	simm.s32 @!p0 $0x1C02  }
0x29: {  	[timem:s3], [sflag:s2] =	dma.local @!p0 [hbm:s0], s1  }
0x2a: {  	s0 =	simm.s32 @!p0 $0x2  }
0x2b: {  	_ =	swait.ge @!p0 [sflag:s0], s1  }
0x2c: {  	s1 =	ssub.s32 @!p0 $0x0, s1;
	[sflag:s0] =	ssyncset.done @!p0 $0x0  }
0x2d: {  	[sflag:s0] =	ssyncadd.s32 @!p0 s1  }
0x2e: {  	[bflag:$0x3] =	sbarrier.arrive $0xFFFF  }
0x2f: {  	_ =	shalt  }

</sc_bundles>
